<compile_context>
chip_gen: v7x
topology: tpu7x:2x2x1
jax: 0.10.2.dev20260603
libtpu: 0.0.44.dev20260713+nightly
codegen_flags: <defaults>
</compile_context>

<pallas_src>
import functools

import jax
import jax.numpy as jnp
from jax import lax
from jax.experimental import pallas as pl
from jax.experimental.pallas import tpu as pltpu
from jax.experimental.pallas import tpu_sc as plsc


def _mixture_select(probs, p, params_flat, K, B, D, NC):
    mesh = plsc.ScalarSubcoreMesh(axis_name="c", num_cores=NC)
    rows_per = B // NC

    @functools.partial(
        pl.kernel,
        out_type=jax.ShapeDtypeStruct((B, D), jnp.float32),
        mesh=mesh,
        scratch_types=[
            pltpu.SMEM((K,), jnp.float32),
            pltpu.SMEM((1,), jnp.float32),
            pltpu.VMEM_SHARED((rows_per, D), jnp.float32),
            pltpu.SemaphoreType.DMA,
            pltpu.SemaphoreType.DMA,
            pltpu.SemaphoreType.DMA,
        ],
    )
    def run(probs_hbm, p_hbm, params_hbm, out_hbm,
            probs_s, p_s, stage, selsem, gsem, ssem):
        cid = lax.axis_index("c")
        c1 = pltpu.async_copy(probs_hbm, probs_s, selsem)
        c2 = pltpu.async_copy(p_hbm, p_s, selsem)
        c1.wait()
        c2.wait()
        pv = p_s[0]
        acc = jnp.float32(0.0)
        idx = jnp.int32(0)
        for k in range(K):
            acc = acc + probs_s[k]
            idx = idx + jnp.where(acc < pv, jnp.int32(1), jnp.int32(0))
        idx = jnp.minimum(idx, jnp.int32(K - 1))
        src_row = idx * B + cid * rows_per
        dst_row = cid * rows_per
        nchunk = 8
        rc = rows_per // nchunk
        gathers = []
        for i in range(nchunk):
            gathers.append(
                pltpu.async_copy(
                    params_hbm.at[pl.ds(src_row + i * rc, rc)],
                    stage.at[pl.ds(i * rc, rc)],
                    gsem,
                )
            )
        scatters = []
        for i in range(nchunk):
            gathers[i].wait()
            scatters.append(
                pltpu.async_copy(
                    stage.at[pl.ds(i * rc, rc)],
                    out_hbm.at[pl.ds(dst_row + i * rc, rc)],
                    ssem,
                )
            )
        for s in scatters:
            s.wait()

    return run(probs, p, params_flat)


def kernel(probs, p, params, batch_size):
    K, B, D = params.shape
    info = plsc.get_sparse_core_info()
    NC = info.num_cores
    params_flat = params.reshape(K * B, D)
    return _mixture_select(probs, p, params_flat, K, B, D, NC)

# --- scband reference (transcript-rebuilt; emitter-appended) ---
"""Pipeline reference for scband-generator-mixture-7997229105617 (READ-ONLY COPY).

The authoritative reference and input builder live on the scoring server;
editing this copy changes nothing except your own understanding.
"""

import jax, jax.numpy as jnp
import numpy as np

K = 8      # number of generators in the mixture
B = 128    # batch_size passed to step()
D = 4096   # size of the physics parameter each generator produces


def setup_inputs(seed: int = 0) -> dict:
    key = jax.random.key(seed)
    k1, k2, k3 = jax.random.split(key, 3)
    # mixture probabilities (must sum to 1, as asserted in __init__)
    probs_raw = jax.random.uniform(k1, (K,), dtype=jnp.float32)
    probs = probs_raw / jnp.sum(probs_raw)
    # the single uniform draw p = torch.rand(1) used to pick a generator
    p = jax.random.uniform(k2, (1,), dtype=jnp.float32)
    # Each PhysicsGenerator.step(batch_size) is modeled as returning a
    # pre-materialized random parameter bank; stack all K generator outputs.
    params = jax.random.normal(k3, (K, B, D), dtype=jnp.float32)
    return {"probs": probs, "p": p, "params": params, "batch_size": B}


def reference(probs, p, params, batch_size):
    # __init__: cum_probs = cumsum(probs)
    cum_probs = jnp.cumsum(probs)
    # step(): p ~ U[0,1); idx = searchsorted(cum_probs, p)
    idx = jnp.searchsorted(cum_probs, p[0])
    idx = jnp.clip(idx, 0, probs.shape[0] - 1)
    # return self.generators[idx].step(batch_size) -> gather the selected
    # generator's parameter bank for this batch
    out = jnp.take(params, idx, axis=0)
    n = params.shape[1]
    row_ids = jnp.arange(n)
    keep = (row_ids < batch_size)[:, None]
    return jnp.where(keep, out[:n], out[:n])

if __name__ == "__main__":
    import jax
    _d = setup_inputs()
    print(jax.jit(kernel)(*tuple(_d.values())))

</pallas_src>

<mosaic_0001>
#map = affine_map<(d0) -> (0)>
#map1 = affine_map<(d0) -> (0, 0)>
module attributes {stable_mosaic.version = 14 : i64} {
  func.func @run(%arg0: i32, %arg1: memref<8xf32, #tpu.memory_space<hbm>>, %arg2: memref<1xf32, #tpu.memory_space<hbm>>, %arg3: memref<1024x4096xf32, #tpu.memory_space<hbm>>, %arg4: memref<128x4096xf32, #tpu.memory_space<hbm>>, %arg5: memref<8xf32, #tpu.memory_space<smem>>, %arg6: memref<1xf32, #tpu.memory_space<smem>>, %arg7: memref<64x4096xf32, #tpu.memory_space<vmem_shared>>, %arg8: memref<!tpu.dma_semaphore, #tpu.memory_space<semaphore_mem>>, %arg9: memref<!tpu.dma_semaphore, #tpu.memory_space<semaphore_mem>>, %arg10: memref<!tpu.dma_semaphore, #tpu.memory_space<semaphore_mem>>) attributes {dimension_semantics = [#tpu.dimension_semantics<core_parallel>], iteration_bounds = array<i64: 2>, scalar_prefetch = 0 : i64, scratch_operands = 6 : i64, tpu.core_type = #tpu.core_type<sc_scalar_subcore>, window_params = [{transform_indices = #map}, {transform_indices = #map}, {transform_indices = #map1}, {transform_indices = #map1}]} {
    tpu.enqueue_dma source(%arg1 : memref<8xf32, #tpu.memory_space<hbm>>) target(%arg5 : memref<8xf32, #tpu.memory_space<smem>>) target_semaphore(%arg8 : memref<!tpu.dma_semaphore, #tpu.memory_space<semaphore_mem>>)
    tpu.enqueue_dma source(%arg2 : memref<1xf32, #tpu.memory_space<hbm>>) target(%arg6 : memref<1xf32, #tpu.memory_space<smem>>) target_semaphore(%arg8 : memref<!tpu.dma_semaphore, #tpu.memory_space<semaphore_mem>>)
    tpu.wait_dma2 semaphore(%arg8 : memref<!tpu.dma_semaphore, #tpu.memory_space<semaphore_mem>>) src(%arg1 : memref<8xf32, #tpu.memory_space<hbm>>) dst(%arg5 : memref<8xf32, #tpu.memory_space<smem>>)
    tpu.wait_dma2 semaphore(%arg8 : memref<!tpu.dma_semaphore, #tpu.memory_space<semaphore_mem>>) src(%arg2 : memref<1xf32, #tpu.memory_space<hbm>>) dst(%arg6 : memref<1xf32, #tpu.memory_space<smem>>)
    %get3A = arith.constant 0 : i32
    %get3A_0 = arith.index_cast %get3A : i32 to index
    %get3A_1 = memref.load %arg6[%get3A_0] : memref<1xf32, #tpu.memory_space<smem>>
    %get3A_2 = arith.constant 0 : i32
    %get3A_3 = arith.index_cast %get3A_2 : i32 to index
    %get3A_4 = memref.load %arg5[%get3A_3] : memref<8xf32, #tpu.memory_space<smem>>
    %add3A = arith.constant 0.000000e+00 : f32
    %add3A_5 = arith.addf %add3A, %get3A_4 : f32
    %lt3A = arith.cmpf olt, %add3A_5, %get3A_1 : f32
    %jit3A = arith.constant 1 : i32
    %jit3A_6 = arith.constant 0 : i32
    %select_n3A = arith.select %lt3A, %jit3A, %jit3A_6 : i32
    %add3A_7 = arith.constant 0 : i32
    %add3A_8 = arith.addi %add3A_7, %select_n3A : i32
    %get3A_9 = arith.constant 1 : i32
    %get3A_10 = arith.index_cast %get3A_9 : i32 to index
    %get3A_11 = memref.load %arg5[%get3A_10] : memref<8xf32, #tpu.memory_space<smem>>
    %add3A_12 = arith.addf %add3A_5, %get3A_11 : f32
    %lt3A_13 = arith.cmpf olt, %add3A_12, %get3A_1 : f32
    %jit3A_14 = arith.constant 1 : i32
    %jit3A_15 = arith.constant 0 : i32
    %select_n3A_16 = arith.select %lt3A_13, %jit3A_14, %jit3A_15 : i32
    %add3A_17 = arith.addi %add3A_8, %select_n3A_16 : i32
    %get3A_18 = arith.constant 2 : i32
    %get3A_19 = arith.index_cast %get3A_18 : i32 to index
    %get3A_20 = memref.load %arg5[%get3A_19] : memref<8xf32, #tpu.memory_space<smem>>
    %add3A_21 = arith.addf %add3A_12, %get3A_20 : f32
    %lt3A_22 = arith.cmpf olt, %add3A_21, %get3A_1 : f32
    %jit3A_23 = arith.constant 1 : i32
    %jit3A_24 = arith.constant 0 : i32
    %select_n3A_25 = arith.select %lt3A_22, %jit3A_23, %jit3A_24 : i32
    %add3A_26 = arith.addi %add3A_17, %select_n3A_25 : i32
    %get3A_27 = arith.constant 3 : i32
    %get3A_28 = arith.index_cast %get3A_27 : i32 to index
    %get3A_29 = memref.load %arg5[%get3A_28] : memref<8xf32, #tpu.memory_space<smem>>
    %add3A_30 = arith.addf %add3A_21, %get3A_29 : f32
    %lt3A_31 = arith.cmpf olt, %add3A_30, %get3A_1 : f32
    %jit3A_32 = arith.constant 1 : i32
    %jit3A_33 = arith.constant 0 : i32
    %select_n3A_34 = arith.select %lt3A_31, %jit3A_32, %jit3A_33 : i32
    %add3A_35 = arith.addi %add3A_26, %select_n3A_34 : i32
    %get3A_36 = arith.constant 4 : i32
    %get3A_37 = arith.index_cast %get3A_36 : i32 to index
    %get3A_38 = memref.load %arg5[%get3A_37] : memref<8xf32, #tpu.memory_space<smem>>
    %add3A_39 = arith.addf %add3A_30, %get3A_38 : f32
    %lt3A_40 = arith.cmpf olt, %add3A_39, %get3A_1 : f32
    %jit3A_41 = arith.constant 1 : i32
    %jit3A_42 = arith.constant 0 : i32
    %select_n3A_43 = arith.select %lt3A_40, %jit3A_41, %jit3A_42 : i32
    %add3A_44 = arith.addi %add3A_35, %select_n3A_43 : i32
    %get3A_45 = arith.constant 5 : i32
    %get3A_46 = arith.index_cast %get3A_45 : i32 to index
    %get3A_47 = memref.load %arg5[%get3A_46] : memref<8xf32, #tpu.memory_space<smem>>
    %add3A_48 = arith.addf %add3A_39, %get3A_47 : f32
    %lt3A_49 = arith.cmpf olt, %add3A_48, %get3A_1 : f32
    %jit3A_50 = arith.constant 1 : i32
    %jit3A_51 = arith.constant 0 : i32
    %select_n3A_52 = arith.select %lt3A_49, %jit3A_50, %jit3A_51 : i32
    %add3A_53 = arith.addi %add3A_44, %select_n3A_52 : i32
    %get3A_54 = arith.constant 6 : i32
    %get3A_55 = arith.index_cast %get3A_54 : i32 to index
    %get3A_56 = memref.load %arg5[%get3A_55] : memref<8xf32, #tpu.memory_space<smem>>
    %add3A_57 = arith.addf %add3A_48, %get3A_56 : f32
    %lt3A_58 = arith.cmpf olt, %add3A_57, %get3A_1 : f32
    %jit3A_59 = arith.constant 1 : i32
    %jit3A_60 = arith.constant 0 : i32
    %select_n3A_61 = arith.select %lt3A_58, %jit3A_59, %jit3A_60 : i32
    %add3A_62 = arith.addi %add3A_53, %select_n3A_61 : i32
    %get3A_63 = arith.constant 7 : i32
    %get3A_64 = arith.index_cast %get3A_63 : i32 to index
    %get3A_65 = memref.load %arg5[%get3A_64] : memref<8xf32, #tpu.memory_space<smem>>
    %add3A_66 = arith.addf %add3A_57, %get3A_65 : f32
    %lt3A_67 = arith.cmpf olt, %add3A_66, %get3A_1 : f32
    %jit3A_68 = arith.constant 1 : i32
    %jit3A_69 = arith.constant 0 : i32
    %select_n3A_70 = arith.select %lt3A_67, %jit3A_68, %jit3A_69 : i32
    %add3A_71 = arith.addi %add3A_62, %select_n3A_70 : i32
    %min3A = arith.constant 7 : i32
    %min3A_72 = arith.minsi %add3A_71, %min3A : i32
    %mul3A = arith.constant 128 : i32
    %mul3A_73 = arith.muli %min3A_72, %mul3A : i32
    %mul3A_74 = arith.constant 64 : i32
    %mul3A_75 = arith.muli %arg0, %mul3A_74 : i32
    %add3A_76 = arith.addi %mul3A_73, %mul3A_75 : i32
    %mul3A_77 = arith.constant 64 : i32
    %mul3A_78 = arith.muli %arg0, %mul3A_77 : i32
    %add3A_79 = arith.constant 0 : i32
    %add3A_80 = arith.addi %add3A_76, %add3A_79 : i32
    %dma_start3A = arith.constant 0 : i32
    %dma_start3A_81 = arith.constant 0 : i32
    %dma_start3A_82 = tpu.memref_slice %arg7[%dma_start3A, %dma_start3A_81] : memref<64x4096xf32, #tpu.memory_space<vmem_shared>> -> memref<8x4096xf32, #tpu.memory_space<vmem_shared>>
    %dma_start3A_83 = arith.constant 0 : i32
    %dma_start3A_84 = tpu.memref_slice %arg3[%add3A_80, %dma_start3A_83] : memref<1024x4096xf32, #tpu.memory_space<hbm>> -> memref<8x4096xf32, #tpu.memory_space<hbm>>
    tpu.enqueue_dma source(%dma_start3A_84 : memref<8x4096xf32, #tpu.memory_space<hbm>>) target(%dma_start3A_82 : memref<8x4096xf32, #tpu.memory_space<vmem_shared>>) target_semaphore(%arg9 : memref<!tpu.dma_semaphore, #tpu.memory_space<semaphore_mem>>)
    %add3A_85 = arith.constant 8 : i32
    %add3A_86 = arith.addi %add3A_76, %add3A_85 : i32
    %dma_start3A_87 = arith.constant 8 : i32
    %dma_start3A_88 = arith.constant 0 : i32
    %dma_start3A_89 = tpu.memref_slice %arg7[%dma_start3A_87, %dma_start3A_88] : memref<64x4096xf32, #tpu.memory_space<vmem_shared>> -> memref<8x4096xf32, #tpu.memory_space<vmem_shared>>
    %dma_start3A_90 = arith.constant 0 : i32
    %dma_start3A_91 = tpu.memref_slice %arg3[%add3A_86, %dma_start3A_90] : memref<1024x4096xf32, #tpu.memory_space<hbm>> -> memref<8x4096xf32, #tpu.memory_space<hbm>>
    tpu.enqueue_dma source(%dma_start3A_91 : memref<8x4096xf32, #tpu.memory_space<hbm>>) target(%dma_start3A_89 : memref<8x4096xf32, #tpu.memory_space<vmem_shared>>) target_semaphore(%arg9 : memref<!tpu.dma_semaphore, #tpu.memory_space<semaphore_mem>>)
    %add3A_92 = arith.constant 16 : i32
    %add3A_93 = arith.addi %add3A_76, %add3A_92 : i32
    %dma_start3A_94 = arith.constant 16 : i32
    %dma_start3A_95 = arith.constant 0 : i32
    %dma_start3A_96 = tpu.memref_slice %arg7[%dma_start3A_94, %dma_start3A_95] : memref<64x4096xf32, #tpu.memory_space<vmem_shared>> -> memref<8x4096xf32, #tpu.memory_space<vmem_shared>>
    %dma_start3A_97 = arith.constant 0 : i32
    %dma_start3A_98 = tpu.memref_slice %arg3[%add3A_93, %dma_start3A_97] : memref<1024x4096xf32, #tpu.memory_space<hbm>> -> memref<8x4096xf32, #tpu.memory_space<hbm>>
    tpu.enqueue_dma source(%dma_start3A_98 : memref<8x4096xf32, #tpu.memory_space<hbm>>) target(%dma_start3A_96 : memref<8x4096xf32, #tpu.memory_space<vmem_shared>>) target_semaphore(%arg9 : memref<!tpu.dma_semaphore, #tpu.memory_space<semaphore_mem>>)
    %add3A_99 = arith.constant 24 : i32
    %add3A_100 = arith.addi %add3A_76, %add3A_99 : i32
    %dma_start3A_101 = arith.constant 24 : i32
    %dma_start3A_102 = arith.constant 0 : i32
    %dma_start3A_103 = tpu.memref_slice %arg7[%dma_start3A_101, %dma_start3A_102] : memref<64x4096xf32, #tpu.memory_space<vmem_shared>> -> memref<8x4096xf32, #tpu.memory_space<vmem_shared>>
    %dma_start3A_104 = arith.constant 0 : i32
    %dma_start3A_105 = tpu.memref_slice %arg3[%add3A_100, %dma_start3A_104] : memref<1024x4096xf32, #tpu.memory_space<hbm>> -> memref<8x4096xf32, #tpu.memory_space<hbm>>
    tpu.enqueue_dma source(%dma_start3A_105 : memref<8x4096xf32, #tpu.memory_space<hbm>>) target(%dma_start3A_103 : memref<8x4096xf32, #tpu.memory_space<vmem_shared>>) target_semaphore(%arg9 : memref<!tpu.dma_semaphore, #tpu.memory_space<semaphore_mem>>)
    %add3A_106 = arith.constant 32 : i32
    %add3A_107 = arith.addi %add3A_76, %add3A_106 : i32
    %dma_start3A_108 = arith.constant 32 : i32
    %dma_start3A_109 = arith.constant 0 : i32
    %dma_start3A_110 = tpu.memref_slice %arg7[%dma_start3A_108, %dma_start3A_109] : memref<64x4096xf32, #tpu.memory_space<vmem_shared>> -> memref<8x4096xf32, #tpu.memory_space<vmem_shared>>
    %dma_start3A_111 = arith.constant 0 : i32
    %dma_start3A_112 = tpu.memref_slice %arg3[%add3A_107, %dma_start3A_111] : memref<1024x4096xf32, #tpu.memory_space<hbm>> -> memref<8x4096xf32, #tpu.memory_space<hbm>>
    tpu.enqueue_dma source(%dma_start3A_112 : memref<8x4096xf32, #tpu.memory_space<hbm>>) target(%dma_start3A_110 : memref<8x4096xf32, #tpu.memory_space<vmem_shared>>) target_semaphore(%arg9 : memref<!tpu.dma_semaphore, #tpu.memory_space<semaphore_mem>>)
    %add3A_113 = arith.constant 40 : i32
    %add3A_114 = arith.addi %add3A_76, %add3A_113 : i32
    %dma_start3A_115 = arith.constant 40 : i32
    %dma_start3A_116 = arith.constant 0 : i32
    %dma_start3A_117 = tpu.memref_slice %arg7[%dma_start3A_115, %dma_start3A_116] : memref<64x4096xf32, #tpu.memory_space<vmem_shared>> -> memref<8x4096xf32, #tpu.memory_space<vmem_shared>>
    %dma_start3A_118 = arith.constant 0 : i32
    %dma_start3A_119 = tpu.memref_slice %arg3[%add3A_114, %dma_start3A_118] : memref<1024x4096xf32, #tpu.memory_space<hbm>> -> memref<8x4096xf32, #tpu.memory_space<hbm>>
    tpu.enqueue_dma source(%dma_start3A_119 : memref<8x4096xf32, #tpu.memory_space<hbm>>) target(%dma_start3A_117 : memref<8x4096xf32, #tpu.memory_space<vmem_shared>>) target_semaphore(%arg9 : memref<!tpu.dma_semaphore, #tpu.memory_space<semaphore_mem>>)
    %add3A_120 = arith.constant 48 : i32
    %add3A_121 = arith.addi %add3A_76, %add3A_120 : i32
    %dma_start3A_122 = arith.constant 48 : i32
    %dma_start3A_123 = arith.constant 0 : i32
    %dma_start3A_124 = tpu.memref_slice %arg7[%dma_start3A_122, %dma_start3A_123] : memref<64x4096xf32, #tpu.memory_space<vmem_shared>> -> memref<8x4096xf32, #tpu.memory_space<vmem_shared>>
    %dma_start3A_125 = arith.constant 0 : i32
    %dma_start3A_126 = tpu.memref_slice %arg3[%add3A_121, %dma_start3A_125] : memref<1024x4096xf32, #tpu.memory_space<hbm>> -> memref<8x4096xf32, #tpu.memory_space<hbm>>
    tpu.enqueue_dma source(%dma_start3A_126 : memref<8x4096xf32, #tpu.memory_space<hbm>>) target(%dma_start3A_124 : memref<8x4096xf32, #tpu.memory_space<vmem_shared>>) target_semaphore(%arg9 : memref<!tpu.dma_semaphore, #tpu.memory_space<semaphore_mem>>)
    %add3A_127 = arith.constant 56 : i32
    %add3A_128 = arith.addi %add3A_76, %add3A_127 : i32
    %dma_start3A_129 = arith.constant 56 : i32
    %dma_start3A_130 = arith.constant 0 : i32
    %dma_start3A_131 = tpu.memref_slice %arg7[%dma_start3A_129, %dma_start3A_130] : memref<64x4096xf32, #tpu.memory_space<vmem_shared>> -> memref<8x4096xf32, #tpu.memory_space<vmem_shared>>
    %dma_start3A_132 = arith.constant 0 : i32
    %dma_start3A_133 = tpu.memref_slice %arg3[%add3A_128, %dma_start3A_132] : memref<1024x4096xf32, #tpu.memory_space<hbm>> -> memref<8x4096xf32, #tpu.memory_space<hbm>>
    tpu.enqueue_dma source(%dma_start3A_133 : memref<8x4096xf32, #tpu.memory_space<hbm>>) target(%dma_start3A_131 : memref<8x4096xf32, #tpu.memory_space<vmem_shared>>) target_semaphore(%arg9 : memref<!tpu.dma_semaphore, #tpu.memory_space<semaphore_mem>>)
    %dma_wait3A = arith.constant 0 : i32
    %dma_wait3A_134 = arith.constant 0 : i32
    %dma_wait3A_135 = tpu.memref_slice %arg7[%dma_wait3A, %dma_wait3A_134] : memref<64x4096xf32, #tpu.memory_space<vmem_shared>> -> memref<8x4096xf32, #tpu.memory_space<vmem_shared>>
    %dma_wait3A_136 = arith.constant 0 : i32
    %dma_wait3A_137 = tpu.memref_slice %arg3[%add3A_80, %dma_wait3A_136] : memref<1024x4096xf32, #tpu.memory_space<hbm>> -> memref<8x4096xf32, #tpu.memory_space<hbm>>
    tpu.wait_dma2 semaphore(%arg9 : memref<!tpu.dma_semaphore, #tpu.memory_space<semaphore_mem>>) src(%dma_wait3A_137 : memref<8x4096xf32, #tpu.memory_space<hbm>>) dst(%dma_wait3A_135 : memref<8x4096xf32, #tpu.memory_space<vmem_shared>>)
    %add3A_138 = arith.constant 0 : i32
    %add3A_139 = arith.addi %mul3A_78, %add3A_138 : i32
    %dma_start3A_140 = arith.constant 0 : i32
    %dma_start3A_141 = tpu.memref_slice %arg4[%add3A_139, %dma_start3A_140] : memref<128x4096xf32, #tpu.memory_space<hbm>> -> memref<8x4096xf32, #tpu.memory_space<hbm>>
    %dma_start3A_142 = arith.constant 0 : i32
    %dma_start3A_143 = arith.constant 0 : i32
    %dma_start3A_144 = tpu.memref_slice %arg7[%dma_start3A_142, %dma_start3A_143] : memref<64x4096xf32, #tpu.memory_space<vmem_shared>> -> memref<8x4096xf32, #tpu.memory_space<vmem_shared>>
    tpu.enqueue_dma source(%dma_start3A_144 : memref<8x4096xf32, #tpu.memory_space<vmem_shared>>) target(%dma_start3A_141 : memref<8x4096xf32, #tpu.memory_space<hbm>>) target_semaphore(%arg10 : memref<!tpu.dma_semaphore, #tpu.memory_space<semaphore_mem>>)
    %dma_wait3A_145 = arith.constant 8 : i32
    %dma_wait3A_146 = arith.constant 0 : i32
    %dma_wait3A_147 = tpu.memref_slice %arg7[%dma_wait3A_145, %dma_wait3A_146] : memref<64x4096xf32, #tpu.memory_space<vmem_shared>> -> memref<8x4096xf32, #tpu.memory_space<vmem_shared>>
    %dma_wait3A_148 = arith.constant 0 : i32
    %dma_wait3A_149 = tpu.memref_slice %arg3[%add3A_86, %dma_wait3A_148] : memref<1024x4096xf32, #tpu.memory_space<hbm>> -> memref<8x4096xf32, #tpu.memory_space<hbm>>
    tpu.wait_dma2 semaphore(%arg9 : memref<!tpu.dma_semaphore, #tpu.memory_space<semaphore_mem>>) src(%dma_wait3A_149 : memref<8x4096xf32, #tpu.memory_space<hbm>>) dst(%dma_wait3A_147 : memref<8x4096xf32, #tpu.memory_space<vmem_shared>>)
    %add3A_150 = arith.constant 8 : i32
    %add3A_151 = arith.addi %mul3A_78, %add3A_150 : i32
    %dma_start3A_152 = arith.constant 0 : i32
    %dma_start3A_153 = tpu.memref_slice %arg4[%add3A_151, %dma_start3A_152] : memref<128x4096xf32, #tpu.memory_space<hbm>> -> memref<8x4096xf32, #tpu.memory_space<hbm>>
    %dma_start3A_154 = arith.constant 8 : i32
    %dma_start3A_155 = arith.constant 0 : i32
    %dma_start3A_156 = tpu.memref_slice %arg7[%dma_start3A_154, %dma_start3A_155] : memref<64x4096xf32, #tpu.memory_space<vmem_shared>> -> memref<8x4096xf32, #tpu.memory_space<vmem_shared>>
    tpu.enqueue_dma source(%dma_start3A_156 : memref<8x4096xf32, #tpu.memory_space<vmem_shared>>) target(%dma_start3A_153 : memref<8x4096xf32, #tpu.memory_space<hbm>>) target_semaphore(%arg10 : memref<!tpu.dma_semaphore, #tpu.memory_space<semaphore_mem>>)
    %dma_wait3A_157 = arith.constant 16 : i32
    %dma_wait3A_158 = arith.constant 0 : i32
    %dma_wait3A_159 = tpu.memref_slice %arg7[%dma_wait3A_157, %dma_wait3A_158] : memref<64x4096xf32, #tpu.memory_space<vmem_shared>> -> memref<8x4096xf32, #tpu.memory_space<vmem_shared>>
    %dma_wait3A_160 = arith.constant 0 : i32
    %dma_wait3A_161 = tpu.memref_slice %arg3[%add3A_93, %dma_wait3A_160] : memref<1024x4096xf32, #tpu.memory_space<hbm>> -> memref<8x4096xf32, #tpu.memory_space<hbm>>
    tpu.wait_dma2 semaphore(%arg9 : memref<!tpu.dma_semaphore, #tpu.memory_space<semaphore_mem>>) src(%dma_wait3A_161 : memref<8x4096xf32, #tpu.memory_space<hbm>>) dst(%dma_wait3A_159 : memref<8x4096xf32, #tpu.memory_space<vmem_shared>>)
    %add3A_162 = arith.constant 16 : i32
    %add3A_163 = arith.addi %mul3A_78, %add3A_162 : i32
    %dma_start3A_164 = arith.constant 0 : i32
    %dma_start3A_165 = tpu.memref_slice %arg4[%add3A_163, %dma_start3A_164] : memref<128x4096xf32, #tpu.memory_space<hbm>> -> memref<8x4096xf32, #tpu.memory_space<hbm>>
    %dma_start3A_166 = arith.constant 16 : i32
    %dma_start3A_167 = arith.constant 0 : i32
    %dma_start3A_168 = tpu.memref_slice %arg7[%dma_start3A_166, %dma_start3A_167] : memref<64x4096xf32, #tpu.memory_space<vmem_shared>> -> memref<8x4096xf32, #tpu.memory_space<vmem_shared>>
    tpu.enqueue_dma source(%dma_start3A_168 : memref<8x4096xf32, #tpu.memory_space<vmem_shared>>) target(%dma_start3A_165 : memref<8x4096xf32, #tpu.memory_space<hbm>>) target_semaphore(%arg10 : memref<!tpu.dma_semaphore, #tpu.memory_space<semaphore_mem>>)
    %dma_wait3A_169 = arith.constant 24 : i32
    %dma_wait3A_170 = arith.constant 0 : i32
    %dma_wait3A_171 = tpu.memref_slice %arg7[%dma_wait3A_169, %dma_wait3A_170] : memref<64x4096xf32, #tpu.memory_space<vmem_shared>> -> memref<8x4096xf32, #tpu.memory_space<vmem_shared>>
    %dma_wait3A_172 = arith.constant 0 : i32
    %dma_wait3A_173 = tpu.memref_slice %arg3[%add3A_100, %dma_wait3A_172] : memref<1024x4096xf32, #tpu.memory_space<hbm>> -> memref<8x4096xf32, #tpu.memory_space<hbm>>
    tpu.wait_dma2 semaphore(%arg9 : memref<!tpu.dma_semaphore, #tpu.memory_space<semaphore_mem>>) src(%dma_wait3A_173 : memref<8x4096xf32, #tpu.memory_space<hbm>>) dst(%dma_wait3A_171 : memref<8x4096xf32, #tpu.memory_space<vmem_shared>>)
    %add3A_174 = arith.constant 24 : i32
    %add3A_175 = arith.addi %mul3A_78, %add3A_174 : i32
    %dma_start3A_176 = arith.constant 0 : i32
    %dma_start3A_177 = tpu.memref_slice %arg4[%add3A_175, %dma_start3A_176] : memref<128x4096xf32, #tpu.memory_space<hbm>> -> memref<8x4096xf32, #tpu.memory_space<hbm>>
    %dma_start3A_178 = arith.constant 24 : i32
    %dma_start3A_179 = arith.constant 0 : i32
    %dma_start3A_180 = tpu.memref_slice %arg7[%dma_start3A_178, %dma_start3A_179] : memref<64x4096xf32, #tpu.memory_space<vmem_shared>> -> memref<8x4096xf32, #tpu.memory_space<vmem_shared>>
    tpu.enqueue_dma source(%dma_start3A_180 : memref<8x4096xf32, #tpu.memory_space<vmem_shared>>) target(%dma_start3A_177 : memref<8x4096xf32, #tpu.memory_space<hbm>>) target_semaphore(%arg10 : memref<!tpu.dma_semaphore, #tpu.memory_space<semaphore_mem>>)
    %dma_wait3A_181 = arith.constant 32 : i32
    %dma_wait3A_182 = arith.constant 0 : i32
    %dma_wait3A_183 = tpu.memref_slice %arg7[%dma_wait3A_181, %dma_wait3A_182] : memref<64x4096xf32, #tpu.memory_space<vmem_shared>> -> memref<8x4096xf32, #tpu.memory_space<vmem_shared>>
    %dma_wait3A_184 = arith.constant 0 : i32
    %dma_wait3A_185 = tpu.memref_slice %arg3[%add3A_107, %dma_wait3A_184] : memref<1024x4096xf32, #tpu.memory_space<hbm>> -> memref<8x4096xf32, #tpu.memory_space<hbm>>
    tpu.wait_dma2 semaphore(%arg9 : memref<!tpu.dma_semaphore, #tpu.memory_space<semaphore_mem>>) src(%dma_wait3A_185 : memref<8x4096xf32, #tpu.memory_space<hbm>>) dst(%dma_wait3A_183 : memref<8x4096xf32, #tpu.memory_space<vmem_shared>>)
    %add3A_186 = arith.constant 32 : i32
    %add3A_187 = arith.addi %mul3A_78, %add3A_186 : i32
    %dma_start3A_188 = arith.constant 0 : i32
    %dma_start3A_189 = tpu.memref_slice %arg4[%add3A_187, %dma_start3A_188] : memref<128x4096xf32, #tpu.memory_space<hbm>> -> memref<8x4096xf32, #tpu.memory_space<hbm>>
    %dma_start3A_190 = arith.constant 32 : i32
    %dma_start3A_191 = arith.constant 0 : i32
    %dma_start3A_192 = tpu.memref_slice %arg7[%dma_start3A_190, %dma_start3A_191] : memref<64x4096xf32, #tpu.memory_space<vmem_shared>> -> memref<8x4096xf32, #tpu.memory_space<vmem_shared>>
    tpu.enqueue_dma source(%dma_start3A_192 : memref<8x4096xf32, #tpu.memory_space<vmem_shared>>) target(%dma_start3A_189 : memref<8x4096xf32, #tpu.memory_space<hbm>>) target_semaphore(%arg10 : memref<!tpu.dma_semaphore, #tpu.memory_space<semaphore_mem>>)
    %dma_wait3A_193 = arith.constant 40 : i32
    %dma_wait3A_194 = arith.constant 0 : i32
    %dma_wait3A_195 = tpu.memref_slice %arg7[%dma_wait3A_193, %dma_wait3A_194] : memref<64x4096xf32, #tpu.memory_space<vmem_shared>> -> memref<8x4096xf32, #tpu.memory_space<vmem_shared>>
    %dma_wait3A_196 = arith.constant 0 : i32
    %dma_wait3A_197 = tpu.memref_slice %arg3[%add3A_114, %dma_wait3A_196] : memref<1024x4096xf32, #tpu.memory_space<hbm>> -> memref<8x4096xf32, #tpu.memory_space<hbm>>
    tpu.wait_dma2 semaphore(%arg9 : memref<!tpu.dma_semaphore, #tpu.memory_space<semaphore_mem>>) src(%dma_wait3A_197 : memref<8x4096xf32, #tpu.memory_space<hbm>>) dst(%dma_wait3A_195 : memref<8x4096xf32, #tpu.memory_space<vmem_shared>>)
    %add3A_198 = arith.constant 40 : i32
    %add3A_199 = arith.addi %mul3A_78, %add3A_198 : i32
    %dma_start3A_200 = arith.constant 0 : i32
    %dma_start3A_201 = tpu.memref_slice %arg4[%add3A_199, %dma_start3A_200] : memref<128x4096xf32, #tpu.memory_space<hbm>> -> memref<8x4096xf32, #tpu.memory_space<hbm>>
    %dma_start3A_202 = arith.constant 40 : i32
    %dma_start3A_203 = arith.constant 0 : i32
    %dma_start3A_204 = tpu.memref_slice %arg7[%dma_start3A_202, %dma_start3A_203] : memref<64x4096xf32, #tpu.memory_space<vmem_shared>> -> memref<8x4096xf32, #tpu.memory_space<vmem_shared>>
    tpu.enqueue_dma source(%dma_start3A_204 : memref<8x4096xf32, #tpu.memory_space<vmem_shared>>) target(%dma_start3A_201 : memref<8x4096xf32, #tpu.memory_space<hbm>>) target_semaphore(%arg10 : memref<!tpu.dma_semaphore, #tpu.memory_space<semaphore_mem>>)
    %dma_wait3A_205 = arith.constant 48 : i32
    %dma_wait3A_206 = arith.constant 0 : i32
    %dma_wait3A_207 = tpu.memref_slice %arg7[%dma_wait3A_205, %dma_wait3A_206] : memref<64x4096xf32, #tpu.memory_space<vmem_shared>> -> memref<8x4096xf32, #tpu.memory_space<vmem_shared>>
    %dma_wait3A_208 = arith.constant 0 : i32
    %dma_wait3A_209 = tpu.memref_slice %arg3[%add3A_121, %dma_wait3A_208] : memref<1024x4096xf32, #tpu.memory_space<hbm>> -> memref<8x4096xf32, #tpu.memory_space<hbm>>
    tpu.wait_dma2 semaphore(%arg9 : memref<!tpu.dma_semaphore, #tpu.memory_space<semaphore_mem>>) src(%dma_wait3A_209 : memref<8x4096xf32, #tpu.memory_space<hbm>>) dst(%dma_wait3A_207 : memref<8x4096xf32, #tpu.memory_space<vmem_shared>>)
    %add3A_210 = arith.constant 48 : i32
    %add3A_211 = arith.addi %mul3A_78, %add3A_210 : i32
    %dma_start3A_212 = arith.constant 0 : i32
    %dma_start3A_213 = tpu.memref_slice %arg4[%add3A_211, %dma_start3A_212] : memref<128x4096xf32, #tpu.memory_space<hbm>> -> memref<8x4096xf32, #tpu.memory_space<hbm>>
    %dma_start3A_214 = arith.constant 48 : i32
    %dma_start3A_215 = arith.constant 0 : i32
    %dma_start3A_216 = tpu.memref_slice %arg7[%dma_start3A_214, %dma_start3A_215] : memref<64x4096xf32, #tpu.memory_space<vmem_shared>> -> memref<8x4096xf32, #tpu.memory_space<vmem_shared>>
    tpu.enqueue_dma source(%dma_start3A_216 : memref<8x4096xf32, #tpu.memory_space<vmem_shared>>) target(%dma_start3A_213 : memref<8x4096xf32, #tpu.memory_space<hbm>>) target_semaphore(%arg10 : memref<!tpu.dma_semaphore, #tpu.memory_space<semaphore_mem>>)
    %dma_wait3A_217 = arith.constant 56 : i32
    %dma_wait3A_218 = arith.constant 0 : i32
    %dma_wait3A_219 = tpu.memref_slice %arg7[%dma_wait3A_217, %dma_wait3A_218] : memref<64x4096xf32, #tpu.memory_space<vmem_shared>> -> memref<8x4096xf32, #tpu.memory_space<vmem_shared>>
    %dma_wait3A_220 = arith.constant 0 : i32
    %dma_wait3A_221 = tpu.memref_slice %arg3[%add3A_128, %dma_wait3A_220] : memref<1024x4096xf32, #tpu.memory_space<hbm>> -> memref<8x4096xf32, #tpu.memory_space<hbm>>
    tpu.wait_dma2 semaphore(%arg9 : memref<!tpu.dma_semaphore, #tpu.memory_space<semaphore_mem>>) src(%dma_wait3A_221 : memref<8x4096xf32, #tpu.memory_space<hbm>>) dst(%dma_wait3A_219 : memref<8x4096xf32, #tpu.memory_space<vmem_shared>>)
    %add3A_222 = arith.constant 56 : i32
    %add3A_223 = arith.addi %mul3A_78, %add3A_222 : i32
    %dma_start3A_224 = arith.constant 0 : i32
    %dma_start3A_225 = tpu.memref_slice %arg4[%add3A_223, %dma_start3A_224] : memref<128x4096xf32, #tpu.memory_space<hbm>> -> memref<8x4096xf32, #tpu.memory_space<hbm>>
    %dma_start3A_226 = arith.constant 56 : i32
    %dma_start3A_227 = arith.constant 0 : i32
    %dma_start3A_228 = tpu.memref_slice %arg7[%dma_start3A_226, %dma_start3A_227] : memref<64x4096xf32, #tpu.memory_space<vmem_shared>> -> memref<8x4096xf32, #tpu.memory_space<vmem_shared>>
    tpu.enqueue_dma source(%dma_start3A_228 : memref<8x4096xf32, #tpu.memory_space<vmem_shared>>) target(%dma_start3A_225 : memref<8x4096xf32, #tpu.memory_space<hbm>>) target_semaphore(%arg10 : memref<!tpu.dma_semaphore, #tpu.memory_space<semaphore_mem>>)
    %dma_wait3A_229 = arith.constant 0 : i32
    %dma_wait3A_230 = tpu.memref_slice %arg4[%add3A_139, %dma_wait3A_229] : memref<128x4096xf32, #tpu.memory_space<hbm>> -> memref<8x4096xf32, #tpu.memory_space<hbm>>
    %dma_wait3A_231 = arith.constant 0 : i32
    %dma_wait3A_232 = arith.constant 0 : i32
    %dma_wait3A_233 = tpu.memref_slice %arg7[%dma_wait3A_231, %dma_wait3A_232] : memref<64x4096xf32, #tpu.memory_space<vmem_shared>> -> memref<8x4096xf32, #tpu.memory_space<vmem_shared>>
    tpu.wait_dma2 semaphore(%arg10 : memref<!tpu.dma_semaphore, #tpu.memory_space<semaphore_mem>>) src(%dma_wait3A_233 : memref<8x4096xf32, #tpu.memory_space<vmem_shared>>) dst(%dma_wait3A_230 : memref<8x4096xf32, #tpu.memory_space<hbm>>)
    %dma_wait3A_234 = arith.constant 0 : i32
    %dma_wait3A_235 = tpu.memref_slice %arg4[%add3A_151, %dma_wait3A_234] : memref<128x4096xf32, #tpu.memory_space<hbm>> -> memref<8x4096xf32, #tpu.memory_space<hbm>>
    %dma_wait3A_236 = arith.constant 8 : i32
    %dma_wait3A_237 = arith.constant 0 : i32
    %dma_wait3A_238 = tpu.memref_slice %arg7[%dma_wait3A_236, %dma_wait3A_237] : memref<64x4096xf32, #tpu.memory_space<vmem_shared>> -> memref<8x4096xf32, #tpu.memory_space<vmem_shared>>
    tpu.wait_dma2 semaphore(%arg10 : memref<!tpu.dma_semaphore, #tpu.memory_space<semaphore_mem>>) src(%dma_wait3A_238 : memref<8x4096xf32, #tpu.memory_space<vmem_shared>>) dst(%dma_wait3A_235 : memref<8x4096xf32, #tpu.memory_space<hbm>>)
    %dma_wait3A_239 = arith.constant 0 : i32
    %dma_wait3A_240 = tpu.memref_slice %arg4[%add3A_163, %dma_wait3A_239] : memref<128x4096xf32, #tpu.memory_space<hbm>> -> memref<8x4096xf32, #tpu.memory_space<hbm>>
    %dma_wait3A_241 = arith.constant 16 : i32
    %dma_wait3A_242 = arith.constant 0 : i32
    %dma_wait3A_243 = tpu.memref_slice %arg7[%dma_wait3A_241, %dma_wait3A_242] : memref<64x4096xf32, #tpu.memory_space<vmem_shared>> -> memref<8x4096xf32, #tpu.memory_space<vmem_shared>>
    tpu.wait_dma2 semaphore(%arg10 : memref<!tpu.dma_semaphore, #tpu.memory_space<semaphore_mem>>) src(%dma_wait3A_243 : memref<8x4096xf32, #tpu.memory_space<vmem_shared>>) dst(%dma_wait3A_240 : memref<8x4096xf32, #tpu.memory_space<hbm>>)
    %dma_wait3A_244 = arith.constant 0 : i32
    %dma_wait3A_245 = tpu.memref_slice %arg4[%add3A_175, %dma_wait3A_244] : memref<128x4096xf32, #tpu.memory_space<hbm>> -> memref<8x4096xf32, #tpu.memory_space<hbm>>
    %dma_wait3A_246 = arith.constant 24 : i32
    %dma_wait3A_247 = arith.constant 0 : i32
    %dma_wait3A_248 = tpu.memref_slice %arg7[%dma_wait3A_246, %dma_wait3A_247] : memref<64x4096xf32, #tpu.memory_space<vmem_shared>> -> memref<8x4096xf32, #tpu.memory_space<vmem_shared>>
    tpu.wait_dma2 semaphore(%arg10 : memref<!tpu.dma_semaphore, #tpu.memory_space<semaphore_mem>>) src(%dma_wait3A_248 : memref<8x4096xf32, #tpu.memory_space<vmem_shared>>) dst(%dma_wait3A_245 : memref<8x4096xf32, #tpu.memory_space<hbm>>)
    %dma_wait3A_249 = arith.constant 0 : i32
    %dma_wait3A_250 = tpu.memref_slice %arg4[%add3A_187, %dma_wait3A_249] : memref<128x4096xf32, #tpu.memory_space<hbm>> -> memref<8x4096xf32, #tpu.memory_space<hbm>>
    %dma_wait3A_251 = arith.constant 32 : i32
    %dma_wait3A_252 = arith.constant 0 : i32
    %dma_wait3A_253 = tpu.memref_slice %arg7[%dma_wait3A_251, %dma_wait3A_252] : memref<64x4096xf32, #tpu.memory_space<vmem_shared>> -> memref<8x4096xf32, #tpu.memory_space<vmem_shared>>
    tpu.wait_dma2 semaphore(%arg10 : memref<!tpu.dma_semaphore, #tpu.memory_space<semaphore_mem>>) src(%dma_wait3A_253 : memref<8x4096xf32, #tpu.memory_space<vmem_shared>>) dst(%dma_wait3A_250 : memref<8x4096xf32, #tpu.memory_space<hbm>>)
    %dma_wait3A_254 = arith.constant 0 : i32
    %dma_wait3A_255 = tpu.memref_slice %arg4[%add3A_199, %dma_wait3A_254] : memref<128x4096xf32, #tpu.memory_space<hbm>> -> memref<8x4096xf32, #tpu.memory_space<hbm>>
    %dma_wait3A_256 = arith.constant 40 : i32
    %dma_wait3A_257 = arith.constant 0 : i32
    %dma_wait3A_258 = tpu.memref_slice %arg7[%dma_wait3A_256, %dma_wait3A_257] : memref<64x4096xf32, #tpu.memory_space<vmem_shared>> -> memref<8x4096xf32, #tpu.memory_space<vmem_shared>>
    tpu.wait_dma2 semaphore(%arg10 : memref<!tpu.dma_semaphore, #tpu.memory_space<semaphore_mem>>) src(%dma_wait3A_258 : memref<8x4096xf32, #tpu.memory_space<vmem_shared>>) dst(%dma_wait3A_255 : memref<8x4096xf32, #tpu.memory_space<hbm>>)
    %dma_wait3A_259 = arith.constant 0 : i32
    %dma_wait3A_260 = tpu.memref_slice %arg4[%add3A_211, %dma_wait3A_259] : memref<128x4096xf32, #tpu.memory_space<hbm>> -> memref<8x4096xf32, #tpu.memory_space<hbm>>
    %dma_wait3A_261 = arith.constant 48 : i32
    %dma_wait3A_262 = arith.constant 0 : i32
    %dma_wait3A_263 = tpu.memref_slice %arg7[%dma_wait3A_261, %dma_wait3A_262] : memref<64x4096xf32, #tpu.memory_space<vmem_shared>> -> memref<8x4096xf32, #tpu.memory_space<vmem_shared>>
    tpu.wait_dma2 semaphore(%arg10 : memref<!tpu.dma_semaphore, #tpu.memory_space<semaphore_mem>>) src(%dma_wait3A_263 : memref<8x4096xf32, #tpu.memory_space<vmem_shared>>) dst(%dma_wait3A_260 : memref<8x4096xf32, #tpu.memory_space<hbm>>)
    %dma_wait3A_264 = arith.constant 0 : i32
    %dma_wait3A_265 = tpu.memref_slice %arg4[%add3A_223, %dma_wait3A_264] : memref<128x4096xf32, #tpu.memory_space<hbm>> -> memref<8x4096xf32, #tpu.memory_space<hbm>>
    %dma_wait3A_266 = arith.constant 56 : i32
    %dma_wait3A_267 = arith.constant 0 : i32
    %dma_wait3A_268 = tpu.memref_slice %arg7[%dma_wait3A_266, %dma_wait3A_267] : memref<64x4096xf32, #tpu.memory_space<vmem_shared>> -> memref<8x4096xf32, #tpu.memory_space<vmem_shared>>
    tpu.wait_dma2 semaphore(%arg10 : memref<!tpu.dma_semaphore, #tpu.memory_space<semaphore_mem>>) src(%dma_wait3A_268 : memref<8x4096xf32, #tpu.memory_space<vmem_shared>>) dst(%dma_wait3A_265 : memref<8x4096xf32, #tpu.memory_space<hbm>>)
    return
  }
}

</mosaic_0001>

<sc_bundles>
// kernel: kernel.3.cloned.1.call-start
scs
__scs_entry_jumppad:
0x0: {  	(pc) =	sbr.rel $0x88, $3  }
0x1: {  	(tag) =	ssettag $0x0;
	lr =	simm.s32 $0x1  }
0x2: {  	[smem:$0x3F9E] =	sst lr;
	_ =	strace $0xD0000000  }
0x3: {  	_ = 	snop  }
0x4: {  	_ = 	snop  }
0x5: {  	_ = 	snop  }
0x6: {  	_ = 	snop  }
0x7: {  	_ = 	snop  }
__scs_overlays_trampoline_lowered:
0x8: {  	[smem:$0x3FAD] =	sst s0  }
0x9: {  	[smem:$0x3FAE] =	sst s1  }
0xa: {  	[smem:$0x3FAF] =	sst s2  }
0xb: {  	[smem:$0x3FB0] =	sst s3  }
0xc: {  	[smem:$0x3FB1] =	sst s4  }
0xd: {  	[smem:$0x3FB2] =	sst s5  }
0xe: {  	[smem:$0x3FB3] =	sst s6  }
0xf: {  	[smem:$0x3FB4] =	sst s7  }
0x10: {  	[smem:$0x3FB5] =	sst s8  }
0x11: {  	[smem:$0x3FB6] =	sst s9;
	s0 =	simm.s32 @!p0 $0x0  }
0x12: {  	s1 =	sld [smem:$0x3F9C];
	s0 =	simm.s32 @p0 $0x1  }
0x13: {  	[smem:$0x3FB7] =	sst s0;
	s0 =	simm.s32 @!p1 $0x0  }
0x14: {  	s2 =	sld [smem:$0x3F9B];
	s0 =	simm.s32 @p1 $0x1  }
0x15: {  	[smem:$0x3FB8] =	sst s0;
	s0 =	simm.s32 @!p2 $0x0  }
0x16: {  	s3 =	sld [smem:$0x3FDB];
	s0 =	simm.s32 @p2 $0x1  }
0x17: {  	s4 =	simm.s32 $0x1BF5;
	[smem:$0x3FBA] =	sst s0  }
0x18: {  	s0 =	sld [smem:$0x3F9D];
	_ =	swait.ge [sflag:s4], $0x0  }
0x19: {  	s7 =	sld [smem:$0x3F9E]  }
0x1a: {  	s8 =	sadd.s32 $0xFFFFE003, lr  }
0x1b: {  	s9 =	sadd.s32 $0xFFFFFEF7, lr;
	s5 =	simm.s32 $0xFFFFFFFF;
	p2 =	slt.u32 s8, $0xFFFFF086  }
0x1c: {  	p1 =	slt.u32 s9, $0xF7A;
	s5 =	simm.s32 @!p2 $0x0  }
0x1d: {  	s5 =	simm.s32 @p1 $0x1;
	p0 =	seq.s32 s7, s2  }
0x1e: {  	s7 =	smul.u32 @!p0 $0xF7A, s2;
	p2 =	seq.s32 @!p0 s5, $0x0  }
0x1f: {  	s9 =	smul.u32 $0xF7A, s1;
	s8 =	simm.s32 @!p0 $0x1BF5;
	p2 =	por !p2, p0  }
0x20: {  	[sflag:s8] =	ssyncset.s32 @!p0 $0xFFFFF086;
	s6 =	sadd.s32 @!p0 s3, s7;
	s7 =	simm.s32 @!p0 $0x108  }
0x21: {  	s3 =	sadd.s32 s3, s9;
	s6 =	sadd.s32 @!p0 $0x88, s6;
	s7 =	simm.s32 @p2 $0x1082  }
0x22: {  	[simem:s7], [sflag:s8] =	dma.local @!p0 [hbm:s6], $0xF7A  }
0x23: {  	s9 =	sor.u32 $0xD0000000, s2;
	s6 =	simm.s32 $0x108;
	_ =	swait.ge @!p0 [sflag:s8], $0x0  }
0x24: {  	s3 =	sadd.s32 $0x88, s3;
	s6 =	simm.s32 @!p1 $0x1082;
	[sflag:s4] =	ssyncset.s32 $0xFFFFF086  }
0x25: {  	[simem:s6], [sflag:s4] =	dma.local [hbm:s3], $0xF7A  }
0x26: {  	[smem:$0x3F9E] =	sst s1;
	(tag) =	ssettag s2;
	_ =	strace s9  }
0x27: {  	s1 =	sld [smem:$0x3FAE]  }
0x28: {  	s2 =	sld [smem:$0x3FAF]  }
0x29: {  	s4 =	sld [smem:$0x3FB1]  }
0x2a: {  	p0 =	seq.s32 s5, $0x0;
	s5 =	sld [smem:$0x3FB2]  }
0x2b: {  	s6 =	sld [smem:$0x3FB3]  }
0x2c: {  	s7 =	sld [smem:$0x3FB4]  }
0x2d: {  	s3 =	simm.s32 $0x108;
	s8 =	sld [smem:$0x3FB5]  }
0x2e: {  	s3 =	simm.s32 @!p0 $0x1082;
	s9 =	sld [smem:$0x3FB6]  }
0x2f: {  	lr =	sadd.s32 s0, s3;
	s0 =	sld [smem:$0x3FAD]  }
0x30: {  	s3 =	sld [smem:$0x3FB0]  }
0x31: {  	[smem:$0x3FB9] =	sst s10  }
0x32: {  	s10 =	sld [smem:$0x3FB7];
	_ =	sdelay $0x3  }
0x33: {  	p0 =	seq.s32 s10, $0x1;
	s10 =	sld [smem:$0x3FB9];
	_ =	sdelay $0x3  }
0x34: {  	[smem:$0x3FB9] =	sst s10  }
0x35: {  	s10 =	sld [smem:$0x3FB8];
	_ =	sdelay $0x3  }
0x36: {  	p1 =	seq.s32 s10, $0x1;
	s10 =	sld [smem:$0x3FB9];
	_ =	sdelay $0x3  }
0x37: {  	[smem:$0x3FB9] =	sst s10  }
0x38: {  	s10 =	sld [smem:$0x3FBA]  }
0x39: {  	_ = 	snop;
	(pc) =	sbr.ind lr, $3  }
0x3a: {  	_ = 	snop  }
0x3b: {  	_ = 	snop  }
0x3c: {  	p2 =	seq.s32 s10, $0x1;
	s10 =	sld [smem:$0x3FB9]  }
0x3d: {  	_ =	shalt  }
0x3e: {  	_ =	shalt  }
0x3f: {  	_ =	shalt  }
0x40: {  	_ =	shalt  }
0x41: {  	_ =	shalt  }
0x42: {  	_ =	shalt  }
0x43: {  	_ =	shalt  }
0x44: {  	_ =	shalt  }
0x45: {  	_ =	shalt  }
0x46: {  	_ =	shalt  }
0x47: {  	_ =	shalt  }
0x48: {  	_ =	shalt  }
0x49: {  	_ =	shalt  }
0x4a: {  	_ =	shalt  }
0x4b: {  	_ =	shalt  }
0x4c: {  	_ =	shalt  }
0x4d: {  	_ =	shalt  }
0x4e: {  	_ =	shalt  }
0x4f: {  	_ =	shalt  }
0x50: {  	_ =	shalt  }
0x51: {  	_ =	shalt  }
0x52: {  	_ =	shalt  }
0x53: {  	_ =	shalt  }
0x54: {  	_ =	shalt  }
0x55: {  	_ =	shalt  }
0x56: {  	_ =	shalt  }
0x57: {  	_ =	shalt  }
0x58: {  	_ =	shalt  }
0x59: {  	_ =	shalt  }
0x5a: {  	_ =	shalt  }
0x5b: {  	_ =	shalt  }
0x5c: {  	_ =	shalt  }
0x5d: {  	_ =	shalt  }
0x5e: {  	_ =	shalt  }
0x5f: {  	_ =	shalt  }
0x60: {  	_ =	shalt  }
0x61: {  	_ =	shalt  }
0x62: {  	_ =	shalt  }
0x63: {  	_ =	shalt  }
0x64: {  	_ =	shalt  }
0x65: {  	_ =	shalt  }
0x66: {  	_ =	shalt  }
0x67: {  	_ =	shalt  }
0x68: {  	_ =	shalt  }
0x69: {  	_ =	shalt  }
0x6a: {  	_ =	shalt  }
0x6b: {  	_ =	shalt  }
0x6c: {  	_ =	shalt  }
0x6d: {  	_ =	shalt  }
0x6e: {  	_ =	shalt  }
0x6f: {  	_ =	shalt  }
0x70: {  	_ =	shalt  }
0x71: {  	_ =	shalt  }
0x72: {  	_ =	shalt  }
0x73: {  	_ =	shalt  }
0x74: {  	_ =	shalt  }
0x75: {  	_ =	shalt  }
0x76: {  	_ =	shalt  }
0x77: {  	_ =	shalt  }
0x78: {  	_ =	shalt  }
0x79: {  	_ =	shalt  }
0x7a: {  	_ =	shalt  }
0x7b: {  	_ =	shalt  }
0x7c: {  	_ =	shalt  }
0x7d: {  	_ =	shalt  }
0x7e: {  	_ =	shalt  }
0x7f: {  	_ =	shalt  }
0x80: {  	_ =	shalt  }
0x81: {  	_ =	shalt  }
0x82: {  	_ =	shalt  }
0x83: {  	_ =	shalt  }
0x84: {  	_ =	shalt  }
0x85: {  	_ =	shalt  }
0x86: {  	_ =	shalt  }
0x87: {  	_ =	shalt  }
.Lfunc_end0:
.L_simem_size_0:
called_computation_lowered:
.L_overlay_start_0:
0x88: {  	s2 =	sld [smem:$0x3FD9]  }
0x89: {  	s3 =	sld [smem:$0x3FFE];
	_ =	sdelay $0x1  }
0x8a: {  	s1 =	srdreg.scid  }
0x8b: {  	s0 =	sand.u32 $0x1, s1  }
0x8c: {  	s16 =	sshll.u32 s0, $0xA;
	s2 =	sadd.s32 s3, s2  }
0x8d: {  	s2 =	sadd.s32 s2, s16  }
0x8e: {  	[smem:$0x3FC5] =	sst s2  }
0x8f: {  	_ = 	snop  }
0x90: {  	s5 =	sld [smem:$0x3FC9]  }
0x91: {  	s6 =	sld [smem:$0x3FC8]  }
0x92: {  	s2 =	simm.s32 $0x0;
	s4 =	sld [smem:$0x3FC7]  }
0x93: {  	[smem:$0xF] =	sst s2  }
0x94: {  	s3 =	sld [smem:$0x3FD0];
	(tm) =	ssettm $0x1  }
0x95: {  	s7 =	sld [smem:$0x3FFB];
	_ =	sdelay $0x3  }
0x96: {  	_ =	strace s7  }
0x97: {  	s7 =	sld [smem:$0x3FFC];
	_ =	sdelay $0x3  }
0x98: {  	_ =	strace s7  }
0x99: {  	s7 =	sld [smem:$0x3FFD];
	_ =	sdelay $0x3  }
0x9a: {  	_ =	strace s7  }
0x9b: {  	s17 =	simm.s32 $0x1B8B;
	_ =	strace $0x8FFFFFFF  }
0x9c: {  	_ =	swait.ge [sflag:s17], $0x1  }
0x9d: {  	[sflag:s17] =	ssyncset.done $0x0  }
0x9e: {  	s18 =	simm.s32 $0x1B8E;
	[sflag:s17] =	ssyncadd.s32 $0xFFFFFFFF  }
0x9f: {  	s19 =	simm.s32 $0x9;
	[smem:$0x3FD2] =	sst s18  }
0xa0: {  	s8 =	simm.s32 $0x10;
	s20 =	simm.s32 $0x90;
	_ =	strace $0x80000046  }
0xa1: {  	[smem:s8], [sflag:s19] =	dma.local [hbm:s5], $0x10  }
0xa2: {  	[smem:s20], [sflag:s19] =	dma.local [hbm:s6], $0x10  }
0xa3: {  	_ =	swait.ge [sflag:s19], $0x10  }
0xa4: {  	[sflag:s19] =	ssyncset.done $0x0  }
0xa5: {  	[sflag:s19] =	ssyncadd.s32 $0xFFFFFFF0;
	_ =	sdelay $0x2  }
0xa6: {  	_ =	swait.ge [sflag:s19], $0x10  }
0xa7: {  	[sflag:s19] =	ssyncset.done $0x0  }
0xa8: {  	[sflag:s19] =	ssyncadd.s32 $0xFFFFFFF0  }
0xa9: {  	s21 =	sld [smem:$0x10]  }
0xaa: {  	s22 =	sld [smem:$0x11]  }
0xab: {  	s7 =	sld [smem:$0x90]  }
0xac: {  	s9 =	sld [smem:$0x12]  }
0xad: {  	s23 =	sadd.f32 $0.0e+00, s21  }
0xae: {  	s24 =	sld [smem:$0x13]  }
0xaf: {  	s6 =	sadd.f32 s22, s23  }
0xb0: {  	s10 =	sld [smem:$0x14]  }
0xb1: {  	s9 =	sadd.f32 s9, s6  }
0xb2: {  	s11 =	sld [smem:$0x15]  }
0xb3: {  	s12 =	simm.s32 $0x1;
	s25 =	sadd.f32 s24, s9  }
0xb4: {  	s8 =	simm.s32 $0x1;
	s28 =	sld [smem:$0x16];
	p0 =	slt.f32 s21, s7  }
0xb5: {  	s5 =	simm.s32 $0x1;
	p1 =	slt.f32 s9, s7;
	s26 =	sadd.f32 s10, s25  }
0xb6: {  	s13 =	sld [smem:$0x17];
	s8 =	simm.s32 @!p0 $0x0;
	p0 =	slt.f32 s6, s7  }
0xb7: {  	s10 =	simm.s32 $0x1;
	s12 =	simm.s32 @!p1 $0x0;
	s11 =	sadd.f32 s11, s26  }
0xb8: {  	s10 =	simm.s32 @!p0 $0x0;
	p0 =	slt.f32 s25, s7;
	p1 =	slt.f32 s26, s7  }
0xb9: {  	s6 =	simm.s32 $0x1;
	s8 =	sadd.s32 s8, s10;
	s9 =	sadd.f32 s28, s11  }
0xba: {  	s8 =	sadd.s32 s12, s8;
	s5 =	simm.s32 @!p0 $0x0;
	s6 =	simm.s32 @!p1 $0x0  }
0xbb: {  	s5 =	sadd.s32 s5, s8;
	p0 =	slt.f32 s11, s7;
	s29 =	sadd.f32 s13, s9  }
0xbc: {  	s5 =	sadd.s32 s6, s5;
	s6 =	simm.s32 $0x1;
	p1 =	slt.f32 s9, s7  }
0xbd: {  	s6 =	simm.s32 @!p0 $0x0;
	s9 =	simm.s32 $0x1;
	p0 =	slt.f32 s29, s7  }
0xbe: {  	s5 =	sadd.s32 s6, s5;
	s9 =	simm.s32 @!p1 $0x0;
	s7 =	simm.s32 $0x1  }
0xbf: {  	s5 =	sadd.s32 s9, s5;
	s7 =	simm.s32 @!p0 $0x0  }
0xc0: {  	s5 =	sadd.s32 s7, s5  }
0xc1: {  	s31 =	simm.s32 $0xA;
	s5 =	smin.u32 s5, $0x7  }
0xc2: {  	s15 =	simm.s32 $0x4000;
	s30 =	sshll.u32 s0, $0xF;
	s5 =	sshll.u32 s5, $0x10  }
0xc3: {  	s17 =	simm.s32 $0x5000;
	s20 =	simm.s32 $0x7000;
	s5 =	sor.u32 s30, s5  }
0xc4: {  	s19 =	simm.s32 $0x6000;
	s11 =	simm.s32 $0x2000;
	s4 =	sadd.s32 s4, s5  }
0xc5: {  	[spmem:s2], [sflag:s31] =	dma.local [hbm:s4], $0x1000  }
0xc6: {  	s13 =	simm.s32 $0x3000;
	s9 =	simm.s32 $0x1000;
	s8 =	sadd.s32 $0x1000, s4  }
0xc7: {  	s10 =	sadd.s32 $0x2000, s4;
	s12 =	sadd.s32 $0x3000, s4;
	s14 =	sadd.s32 $0x4000, s4  }
0xc8: {  	s16 =	sadd.s32 $0x5000, s4;
	s18 =	sadd.s32 $0x6000, s4;
	s4 =	sadd.s32 $0x7000, s4  }
0xc9: {  	[spmem:s9], [sflag:s31] =	dma.local [hbm:s8], $0x1000  }
0xca: {  	[spmem:s11], [sflag:s31] =	dma.local [hbm:s10], $0x1000  }
0xcb: {  	[spmem:s13], [sflag:s31] =	dma.local [hbm:s12], $0x1000  }
0xcc: {  	[spmem:s15], [sflag:s31] =	dma.local [hbm:s14], $0x1000  }
0xcd: {  	[spmem:s17], [sflag:s31] =	dma.local [hbm:s16], $0x1000  }
0xce: {  	[spmem:s19], [sflag:s31] =	dma.local [hbm:s18], $0x1000  }
0xcf: {  	[spmem:s20], [sflag:s31] =	dma.local [hbm:s4], $0x1000  }
0xd0: {  	_ =	swait.ge [sflag:s31], $0x1000  }
0xd1: {  	[sflag:s31] =	ssyncset.done $0x0  }
0xd2: {  	[sflag:s31] =	ssyncadd.s32 $0xFFFFF000  }
0xd3: {  	s3 =	sadd.s32 s30, s3;
	s21 =	simm.s32 $0xB  }
0xd4: {  	[hbm:s3], [sflag:s21] =	dma.local [spmem:s2], $0x1000  }
0xd5: {  	_ =	swait.ge [sflag:s31], $0x1000  }
0xd6: {  	[sflag:s31] =	ssyncset.done $0x0  }
0xd7: {  	[sflag:s31] =	ssyncadd.s32 $0xFFFFF000  }
0xd8: {  	s22 =	sadd.s32 $0x1000, s3  }
0xd9: {  	[hbm:s22], [sflag:s21] =	dma.local [spmem:s9], $0x1000  }
0xda: {  	_ =	swait.ge [sflag:s31], $0x1000  }
0xdb: {  	[sflag:s31] =	ssyncset.done $0x0  }
0xdc: {  	[sflag:s31] =	ssyncadd.s32 $0xFFFFF000  }
0xdd: {  	s23 =	sadd.s32 $0x2000, s3  }
0xde: {  	[hbm:s23], [sflag:s21] =	dma.local [spmem:s11], $0x1000  }
0xdf: {  	_ =	swait.ge [sflag:s31], $0x1000  }
0xe0: {  	[sflag:s31] =	ssyncset.done $0x0  }
0xe1: {  	[sflag:s31] =	ssyncadd.s32 $0xFFFFF000  }
0xe2: {  	s24 =	sadd.s32 $0x3000, s3  }
0xe3: {  	[hbm:s24], [sflag:s21] =	dma.local [spmem:s13], $0x1000  }
0xe4: {  	_ =	swait.ge [sflag:s31], $0x1000  }
0xe5: {  	[sflag:s31] =	ssyncset.done $0x0  }
0xe6: {  	[sflag:s31] =	ssyncadd.s32 $0xFFFFF000  }
0xe7: {  	s25 =	sadd.s32 $0x4000, s3  }
0xe8: {  	[hbm:s25], [sflag:s21] =	dma.local [spmem:s15], $0x1000  }
0xe9: {  	_ =	swait.ge [sflag:s31], $0x1000  }
0xea: {  	[sflag:s31] =	ssyncset.done $0x0  }
0xeb: {  	[sflag:s31] =	ssyncadd.s32 $0xFFFFF000  }
0xec: {  	s26 =	sadd.s32 $0x5000, s3  }
0xed: {  	[hbm:s26], [sflag:s21] =	dma.local [spmem:s17], $0x1000  }
0xee: {  	_ =	swait.ge [sflag:s31], $0x1000  }
0xef: {  	[sflag:s31] =	ssyncset.done $0x0  }
0xf0: {  	[sflag:s31] =	ssyncadd.s32 $0xFFFFF000  }
0xf1: {  	s28 =	sadd.s32 $0x6000, s3  }
0xf2: {  	[hbm:s28], [sflag:s21] =	dma.local [spmem:s19], $0x1000  }
0xf3: {  	_ =	swait.ge [sflag:s31], $0x1000  }
0xf4: {  	[sflag:s31] =	ssyncset.done $0x0  }
0xf5: {  	[sflag:s31] =	ssyncadd.s32 $0xFFFFF000  }
0xf6: {  	s29 =	sadd.s32 $0x7000, s3  }
0xf7: {  	[hbm:s29], [sflag:s21] =	dma.local [spmem:s20], $0x1000  }
0xf8: {  	_ =	swait.ge [sflag:s21], $0x1000  }
0xf9: {  	[sflag:s21] =	ssyncset.done $0x0  }
0xfa: {  	[sflag:s21] =	ssyncadd.s32 $0xFFFFF000;
	_ =	sdelay $0x2  }
0xfb: {  	_ =	swait.ge [sflag:s21], $0x1000  }
0xfc: {  	[sflag:s21] =	ssyncset.done $0x0  }
0xfd: {  	[sflag:s21] =	ssyncadd.s32 $0xFFFFF000;
	_ =	sdelay $0x2  }
0xfe: {  	_ =	swait.ge [sflag:s21], $0x1000  }
0xff: {  	[sflag:s21] =	ssyncset.done $0x0  }
0x100: {  	[sflag:s21] =	ssyncadd.s32 $0xFFFFF000;
	_ =	sdelay $0x2  }
0x101: {  	_ =	swait.ge [sflag:s21], $0x1000  }
0x102: {  	[sflag:s21] =	ssyncset.done $0x0  }
0x103: {  	[sflag:s21] =	ssyncadd.s32 $0xFFFFF000;
	_ =	sdelay $0x2  }
0x104: {  	_ =	swait.ge [sflag:s21], $0x1000  }
0x105: {  	[sflag:s21] =	ssyncset.done $0x0  }
0x106: {  	[sflag:s21] =	ssyncadd.s32 $0xFFFFF000;
	_ =	sdelay $0x2  }
0x107: {  	_ =	swait.ge [sflag:s21], $0x1000  }
0x108: {  	[sflag:s21] =	ssyncset.done $0x0  }
0x109: {  	[sflag:s21] =	ssyncadd.s32 $0xFFFFF000;
	_ =	sdelay $0x2  }
0x10a: {  	_ =	swait.ge [sflag:s21], $0x1000  }
0x10b: {  	[sflag:s21] =	ssyncset.done $0x0  }
0x10c: {  	[sflag:s21] =	ssyncadd.s32 $0xFFFFF000;
	_ =	sdelay $0x2  }
0x10d: {  	_ =	swait.ge [sflag:s21], $0x1000  }
0x10e: {  	[sflag:s21] =	ssyncset.done $0x0  }
0x10f: {  	[sflag:s21] =	ssyncadd.s32 $0xFFFFF000  }
0x110: {  	_ =	strace $0x90000046  }
0x111: {  	_ =	sfence  }
0x112: {  	s30 =	sld [smem:$0x0];
	_ =	sdelay $0x2  }
0x113: {  	s31 =	sshll.u32 s1, $0xD;
	s1 =	sshrl.u32 s1, $0x2  }
0x114: {  	s3 =	sand.u32 $0x4000, s31;
	s1 =	sadd.s32 s1, s30  }
0x115: {  	s0 =	sor.u32 s3, s0;
	s1 =	sshll.u32 s1, $0x11  }
0x116: {  	s0 =	sor.u32 s1, s0  }
0x117: {  	s0 =	sadd.s32 $0x8F2B, s0;
	(pc) =	sbr.abs _section_cstart, $3  }
0x118: {  	[sflag:s0] =	ssyncadd.remote.s32 $0x1  }
0x119: {  	_ =	strace $0x9FFFFFFF  }
0x11a: {  	(tm) =	ssettm $0x7FFFFFFF  }
0x11b: {  	_ =	shalt  }

</sc_bundles>
